<compile_context>
chip_gen: v7x
topology: tpu7x:2x2x1
jax: 0.10.2.dev20260603
libtpu: 0.0.44.dev20260713+nightly
codegen_flags: <defaults>
</compile_context>

<pallas_src>
import jax
import jax.numpy as jnp
from jax import lax
from jax.experimental import pallas as pl


def _conv(x, w, b, stride, pad):
    y = lax.conv_general_dilated(
        x, w, (stride, stride), [(pad, pad), (pad, pad)],
        dimension_numbers=('NCHW', 'OIHW', 'NCHW'))
    return y + b[None, :, None, None]


def _convT(x, w, b, stride, pad):
    kh, kw = w.shape[2], w.shape[3]
    w2 = jnp.transpose(w[:, :, ::-1, ::-1], (1, 0, 2, 3))
    y = lax.conv_general_dilated(
        x, w2, (1, 1),
        [(kh - 1 - pad, kh - 1 - pad), (kw - 1 - pad, kw - 1 - pad)],
        lhs_dilation=(stride, stride),
        dimension_numbers=('NCHW', 'OIHW', 'NCHW'))
    return y + b[None, :, None, None]


def _bn(x, g, b, eps=1e-5):
    m = jnp.mean(x, axis=(0, 2, 3), keepdims=True)
    v = jnp.var(x, axis=(0, 2, 3), keepdims=True)
    return (x - m) / jnp.sqrt(v + eps) * g[None, :, None, None] + b[None, :, None, None]


_H = 224
_CI = 128
_CO = 3
_TH = 16


def _bnconv3_body(cur_ref, nxt_ref, sc_ref, sh_ref, w_ref, b_ref, out_ref):
    raw = jnp.concatenate([cur_ref[0], nxt_ref[0, :, 0]], axis=1)
    sc = sc_ref[...][:, None, None]
    sh = sh_ref[...][:, None, None]
    win = jnp.maximum(raw * sc + sh, 0.0)
    acc = jnp.zeros((_CO, _TH, _H), jnp.float32)
    for ky in range(3):
        xk = win[:, ky:ky + _TH, :].reshape(_CI, _TH * (_H + 2))
        for kx in range(3):
            wt = w_ref[:, :, ky, kx]
            p = lax.dot_general(
                wt, xk,
                dimension_numbers=(((1,), (0,)), ((), ())),
                preferred_element_type=jnp.float32)
            acc += p.reshape(_CO, _TH, _H + 2)[:, :, kx:kx + _H]
    out = acc + b_ref[...][:, None, None]
    out_ref[...] = out[None]


def _bnconv3_pallas(y2, scale, shift, w3, b3):
    w2 = jnp.transpose(w3[:, :, ::-1, ::-1], (1, 0, 2, 3))
    hp = jnp.pad(y2, ((0, 0), (0, 0), (1, 1), (1, 1)), constant_values=-1e30)
    nst = _H // _TH
    halo = jnp.stack([hp[:, :, _TH::_TH], hp[:, :, _TH + 1::_TH]], axis=3)
    return pl.pallas_call(
        _bnconv3_body,
        grid=(y2.shape[0], nst),
        in_specs=[
            pl.BlockSpec((1, _CI, _TH, _H + 2), lambda b, i: (b, 0, i, 0)),
            pl.BlockSpec((1, _CI, 1, 2, _H + 2), lambda b, i: (b, 0, i, 0, 0)),
            pl.BlockSpec((_CI,), lambda b, i: (0,)),
            pl.BlockSpec((_CI,), lambda b, i: (0,)),
            pl.BlockSpec((_CO, _CI, 3, 3), lambda b, i: (0, 0, 0, 0)),
            pl.BlockSpec((_CO,), lambda b, i: (0,)),
        ],
        out_specs=pl.BlockSpec((1, _CO, _TH, _H), lambda b, i: (b, 0, i, 0)),
        out_shape=jax.ShapeDtypeStruct((y2.shape[0], _CO, _H, _H), jnp.float32),
    )(hp, halo, scale, shift, w2, b3)


def kernel(x, ew1, eb1, eg1, eB1, ew2, eb2, eg2, eB2, ew3, eb3, codebook,
           dw1, db1, dg1, dB1, dw2, db2, dg2, dB2, dw3, db3,
           commitment_cost=0.25):
    h = jax.nn.relu(_bn(_conv(x, ew1, eb1, 2, 1), eg1, eB1))
    h = jax.nn.relu(_bn(_conv(h, ew2, eb2, 2, 1), eg2, eB2))
    z = _conv(h, ew3, eb3, 1, 1)
    zp = jnp.transpose(z, (0, 2, 3, 1))
    D = zp.shape[-1]
    flat = zp.reshape(-1, D)
    dist = jnp.sum(flat ** 2, axis=1, keepdims=True) + jnp.sum(codebook ** 2, axis=1) - 2.0 * (flat @ codebook.T)
    idx = jnp.argmin(dist, axis=1)
    quant = jnp.take(codebook, idx, axis=0).reshape(zp.shape)
    quant = jnp.transpose(quant, (0, 3, 1, 2))
    e_loss = jnp.mean((jax.lax.stop_gradient(quant) - z) ** 2)
    q_loss = jnp.mean((quant - jax.lax.stop_gradient(z)) ** 2)
    loss = q_loss + commitment_cost * e_loss
    quant_st = z + jax.lax.stop_gradient(quant - z)
    h1 = jax.nn.relu(_bn(_convT(quant_st, dw1, db1, 2, 1), dg1, dB1))

    y2 = _convT(h1, dw2, db2, 2, 1)
    m2 = jnp.mean(y2, axis=(0, 2, 3))
    v2 = jnp.var(y2, axis=(0, 2, 3))
    scale2 = dg2 / jnp.sqrt(v2 + 1e-5)
    shift2 = dB2 - m2 * scale2
    recon = _bnconv3_pallas(y2, scale2, shift2, dw3, db3)
    return recon, loss

# --- scband reference (transcript-rebuilt; emitter-appended) ---
"""Pipeline reference for scband-vqvae-11879879544246 (READ-ONLY COPY).

The authoritative reference and input builder live on the scoring server;
editing this copy changes nothing except your own understanding.
"""

import jax, jax.numpy as jnp
import numpy as np
from jax import lax

def _conv(x, w, b, stride, pad):
    y = lax.conv_general_dilated(x, w, (stride, stride), [(pad, pad), (pad, pad)], dimension_numbers=('NCHW', 'OIHW', 'NCHW'))
    return y + b[None, :, None, None]

def _convT(x, w, b, stride, pad):
    kh, kw = w.shape[2], w.shape[3]
    w2 = jnp.transpose(w[:, :, ::-1, ::-1], (1, 0, 2, 3))
    y = lax.conv_general_dilated(x, w2, (1, 1), [(kh - 1 - pad, kh - 1 - pad), (kw - 1 - pad, kw - 1 - pad)], lhs_dilation=(stride, stride), dimension_numbers=('NCHW', 'OIHW', 'NCHW'))
    return y + b[None, :, None, None]

def _bn(x, g, b, eps=1e-5):
    m = jnp.mean(x, axis=(0, 2, 3), keepdims=True)
    v = jnp.var(x, axis=(0, 2, 3), keepdims=True)
    return (x - m) / jnp.sqrt(v + eps) * g[None, :, None, None] + b[None, :, None, None]

def _forward(x, ew1, eb1, eg1, eB1, ew2, eb2, eg2, eB2, ew3, eb3, codebook, dw1, db1, dg1, dB1, dw2, db2, dg2, dB2, dw3, db3, commitment_cost=0.25):
    h = jax.nn.relu(_bn(_conv(x, ew1, eb1, 2, 1), eg1, eB1))
    h = jax.nn.relu(_bn(_conv(h, ew2, eb2, 2, 1), eg2, eB2))
    z = _conv(h, ew3, eb3, 1, 1)
    zp = jnp.transpose(z, (0, 2, 3, 1))
    D = zp.shape[-1]
    flat = zp.reshape(-1, D)
    dist = jnp.sum(flat ** 2, axis=1, keepdims=True) + jnp.sum(codebook ** 2, axis=1) - 2.0 * (flat @ codebook.T)
    idx = jnp.argmin(dist, axis=1)
    quant = jnp.take(codebook, idx, axis=0).reshape(zp.shape)
    quant = jnp.transpose(quant, (0, 3, 1, 2))
    e_loss = jnp.mean((jax.lax.stop_gradient(quant) - z) ** 2)
    q_loss = jnp.mean((quant - jax.lax.stop_gradient(z)) ** 2)
    loss = q_loss + commitment_cost * e_loss
    quant_st = z + jax.lax.stop_gradient(quant - z)
    h = jax.nn.relu(_bn(_convT(quant_st, dw1, db1, 2, 1), dg1, dB1))
    h = jax.nn.relu(_bn(_convT(h, dw2, db2, 2, 1), dg2, dB2))
    recon = _convT(h, dw3, db3, 1, 1)
    return recon, loss

def setup_inputs(seed: int = 0):
    key = jax.random.key(seed)
    ks = jax.random.split(key, 16)
    B, C, H, W = 4, 3, 224, 224
    D, K = 64, 8192
    inp = {}
    inp['x'] = jax.random.normal(ks[0], (B, C, H, W), dtype=jnp.float32)
    inp['ew1'] = jax.random.normal(ks[1], (128, 3, 4, 4), dtype=jnp.float32) * 0.05
    inp['eb1'] = jnp.zeros((128,), jnp.float32)
    inp['eg1'] = jnp.ones((128,), jnp.float32)
    inp['eB1'] = jnp.zeros((128,), jnp.float32)
    inp['ew2'] = jax.random.normal(ks[2], (256, 128, 4, 4), dtype=jnp.float32) * 0.02
    inp['eb2'] = jnp.zeros((256,), jnp.float32)
    inp['eg2'] = jnp.ones((256,), jnp.float32)
    inp['eB2'] = jnp.zeros((256,), jnp.float32)
    inp['ew3'] = jax.random.normal(ks[3], (D, 256, 3, 3), dtype=jnp.float32) * 0.02
    inp['eb3'] = jnp.zeros((D,), jnp.float32)
    inp['codebook'] = jax.random.uniform(ks[4], (K, D), jnp.float32, -1.0 / K, 1.0 / K)
    inp['dw1'] = jax.random.normal(ks[5], (D, 256, 4, 4), dtype=jnp.float32) * 0.05
    inp['db1'] = jnp.zeros((256,), jnp.float32)
    inp['dg1'] = jnp.ones((256,), jnp.float32)
    inp['dB1'] = jnp.zeros((256,), jnp.float32)
    inp['dw2'] = jax.random.normal(ks[6], (256, 128, 4, 4), dtype=jnp.float32) * 0.02
    inp['db2'] = jnp.zeros((128,), jnp.float32)
    inp['dg2'] = jnp.ones((128,), jnp.float32)
    inp['dB2'] = jnp.zeros((128,), jnp.float32)
    inp['dw3'] = jax.random.normal(ks[7], (128, 3, 3, 3), dtype=jnp.float32) * 0.02
    inp['db3'] = jnp.zeros((3,), jnp.float32)
    return inp

def reference(x, ew1, eb1, eg1, eB1, ew2, eb2, eg2, eB2, ew3, eb3, codebook, dw1, db1, dg1, dB1, dw2, db2, dg2, dB2, dw3, db3):
    return _forward(x, ew1, eb1, eg1, eB1, ew2, eb2, eg2, eB2, ew3, eb3, codebook, dw1, db1, dg1, dB1, dw2, db2, dg2, dB2, dw3, db3)

if __name__ == "__main__":
    import jax
    _d = setup_inputs()
    print(jax.jit(kernel)(*tuple(_d.values())))

</pallas_src>

<mosaic_0001>
module attributes {stable_mosaic.version = 14 : i64} {
  func.func @_bnconv3_body(%arg0: i32, %arg1: i32, %arg2: memref<1x128x16x226xf32, #tpu.memory_space<vmem>>, %arg3: memref<1x128x1x2x226xf32, #tpu.memory_space<vmem>>, %arg4: memref<128xf32, #tpu.memory_space<vmem>>, %arg5: memref<128xf32, #tpu.memory_space<vmem>>, %arg6: memref<3x128x3x3xf32, #tpu.memory_space<vmem>>, %arg7: memref<3xf32, #tpu.memory_space<vmem>>, %arg8: memref<1x3x16x224xf32, #tpu.memory_space<vmem>>) attributes {dimension_semantics = [#tpu.dimension_semantics<arbitrary>, #tpu.dimension_semantics<arbitrary>], iteration_bounds = array<i64: 4, 14>, scalar_prefetch = 0 : i64, scratch_operands = 0 : i64, tpu.core_type = #tpu.core_type<tc>, window_params = [{transform_indices = @transform_0, window_bounds = array<i64: 1, 128, 16, 226>}, {transform_indices = @transform_1, window_bounds = array<i64: 1, 128, 1, 2, 226>}, {pipeline_mode = #tpu.pipeline_mode<synchronous>, transform_indices = @transform_2, window_bounds = array<i64: 128>}, {pipeline_mode = #tpu.pipeline_mode<synchronous>, transform_indices = @transform_3, window_bounds = array<i64: 128>}, {pipeline_mode = #tpu.pipeline_mode<synchronous>, transform_indices = @transform_4, window_bounds = array<i64: 3, 128, 3, 3>}, {pipeline_mode = #tpu.pipeline_mode<synchronous>, transform_indices = @transform_5, window_bounds = array<i64: 3>}, {transform_indices = @transform_6, window_bounds = array<i64: 1, 3, 16, 224>}]} {
    %get3A = arith.constant 0 : index
    %get3A_0 = arith.constant 0 : index
    %get3A_1 = arith.constant 0 : index
    %get3A_2 = arith.constant 0 : index
    %get3A_3 = vector.load %arg2[%get3A, %get3A_0, %get3A_1, %get3A_2] : memref<1x128x16x226xf32, #tpu.memory_space<vmem>>, vector<1x128x16x226xf32>
    %get3A_4 = vector.shape_cast %get3A_3 : vector<1x128x16x226xf32> to vector<128x16x226xf32>
    %get3A_5 = arith.constant 0 : index
    %get3A_6 = arith.constant 0 : index
    %get3A_7 = arith.constant 0 : index
    %get3A_8 = arith.constant 0 : index
    %get3A_9 = arith.constant 0 : index
    %get3A_10 = vector.load %arg3[%get3A_5, %get3A_6, %get3A_7, %get3A_8, %get3A_9] : memref<1x128x1x2x226xf32, #tpu.memory_space<vmem>>, vector<1x128x1x2x226xf32>
    %get3A_11 = vector.shape_cast %get3A_10 : vector<1x128x1x2x226xf32> to vector<128x2x226xf32>
    %concatenate3A = tpu.concatenate %get3A_4, %get3A_11 in 1 : vector<128x16x226xf32>, vector<128x2x226xf32> -> vector<128x18x226xf32>
    %get3A_12 = arith.constant 0 : index
    %get3A_13 = vector.load %arg4[%get3A_12] : memref<128xf32, #tpu.memory_space<vmem>>, vector<128xf32>
    %broadcast_in_dim3A = vector.shape_cast %get3A_13 : vector<128xf32> to vector<128x1x1xf32>
    %get3A_14 = arith.constant 0 : index
    %get3A_15 = vector.load %arg5[%get3A_14] : memref<128xf32, #tpu.memory_space<vmem>>, vector<128xf32>
    %broadcast_in_dim3A_16 = vector.shape_cast %get3A_15 : vector<128xf32> to vector<128x1x1xf32>
    %mul3A = vector.broadcast %broadcast_in_dim3A : vector<128x1x1xf32> to vector<128x18x226xf32>
    %mul3A_17 = arith.mulf %concatenate3A, %mul3A : vector<128x18x226xf32>
    %add3A = vector.broadcast %broadcast_in_dim3A_16 : vector<128x1x1xf32> to vector<128x18x226xf32>
    %add3A_18 = arith.addf %mul3A_17, %add3A : vector<128x18x226xf32>
    %max3A = arith.constant 0.000000e+00 : f32
    %max3A_19 = vector.broadcast %max3A : f32 to vector<128x18x226xf32>
    %max3A_20 = arith.maximumf %add3A_18, %max3A_19 : vector<128x18x226xf32>
    %broadcast_in_dim3A_21 = arith.constant 0.000000e+00 : f32
    %broadcast_in_dim3A_22 = vector.broadcast %broadcast_in_dim3A_21 : f32 to vector<3x16x224xf32>
    %slice3A = vector.extract_strided_slice %max3A_20 {offsets = [0, 0, 0], sizes = [128, 16, 226], strides = [1, 1, 1]} : vector<128x18x226xf32> to vector<128x16x226xf32>
    %reshape3A = vector.shape_cast %slice3A : vector<128x16x226xf32> to vector<128x3616xf32>
    %get3A_23 = arith.constant 0 : index
    %get3A_24 = arith.constant 0 : index
    %get3A_25 = arith.constant 0 : index
    %get3A_26 = arith.constant 0 : index
    %get3A_27 = vector.load %arg6[%get3A_23, %get3A_24, %get3A_25, %get3A_26] : memref<3x128x3x3xf32, #tpu.memory_space<vmem>>, vector<3x128x1x1xf32>
    %get3A_28 = vector.shape_cast %get3A_27 : vector<3x128x1x1xf32> to vector<3x128xf32>
    %dot_general3A = arith.constant dense<0.000000e+00> : vector<3x3616xf32>
    %dot_general3A_29 = tpu.matmul %get3A_28, %reshape3A, %dot_general3A {dimension_numbers = #tpu.dot_dimension_numbers<[1], [0], [0], [1], [0, 0, 1, 1], [], []>, transpose_lhs_hint = false} : vector<3x128xf32>, vector<128x3616xf32>, vector<3x3616xf32> -> vector<3x3616xf32>
    %reshape3A_30 = vector.shape_cast %dot_general3A_29 : vector<3x3616xf32> to vector<3x16x226xf32>
    %slice3A_31 = vector.extract_strided_slice %reshape3A_30 {offsets = [0, 0, 0], sizes = [3, 16, 224], strides = [1, 1, 1]} : vector<3x16x226xf32> to vector<3x16x224xf32>
    %add3A_32 = arith.addf %broadcast_in_dim3A_22, %slice3A_31 : vector<3x16x224xf32>
    %get3A_33 = arith.constant 0 : index
    %get3A_34 = arith.constant 0 : index
    %get3A_35 = arith.constant 0 : index
    %get3A_36 = arith.constant 1 : index
    %get3A_37 = vector.load %arg6[%get3A_33, %get3A_34, %get3A_35, %get3A_36] : memref<3x128x3x3xf32, #tpu.memory_space<vmem>>, vector<3x128x1x1xf32>
    %get3A_38 = vector.shape_cast %get3A_37 : vector<3x128x1x1xf32> to vector<3x128xf32>
    %dot_general3A_39 = arith.constant dense<0.000000e+00> : vector<3x3616xf32>
    %dot_general3A_40 = tpu.matmul %get3A_38, %reshape3A, %dot_general3A_39 {dimension_numbers = #tpu.dot_dimension_numbers<[1], [0], [0], [1], [0, 0, 1, 1], [], []>, transpose_lhs_hint = false} : vector<3x128xf32>, vector<128x3616xf32>, vector<3x3616xf32> -> vector<3x3616xf32>
    %reshape3A_41 = vector.shape_cast %dot_general3A_40 : vector<3x3616xf32> to vector<3x16x226xf32>
    %slice3A_42 = vector.extract_strided_slice %reshape3A_41 {offsets = [0, 0, 1], sizes = [3, 16, 224], strides = [1, 1, 1]} : vector<3x16x226xf32> to vector<3x16x224xf32>
    %add3A_43 = arith.addf %add3A_32, %slice3A_42 : vector<3x16x224xf32>
    %get3A_44 = arith.constant 0 : index
    %get3A_45 = arith.constant 0 : index
    %get3A_46 = arith.constant 0 : index
    %get3A_47 = arith.constant 2 : index
    %get3A_48 = vector.load %arg6[%get3A_44, %get3A_45, %get3A_46, %get3A_47] : memref<3x128x3x3xf32, #tpu.memory_space<vmem>>, vector<3x128x1x1xf32>
    %get3A_49 = vector.shape_cast %get3A_48 : vector<3x128x1x1xf32> to vector<3x128xf32>
    %dot_general3A_50 = arith.constant dense<0.000000e+00> : vector<3x3616xf32>
    %dot_general3A_51 = tpu.matmul %get3A_49, %reshape3A, %dot_general3A_50 {dimension_numbers = #tpu.dot_dimension_numbers<[1], [0], [0], [1], [0, 0, 1, 1], [], []>, transpose_lhs_hint = false} : vector<3x128xf32>, vector<128x3616xf32>, vector<3x3616xf32> -> vector<3x3616xf32>
    %reshape3A_52 = vector.shape_cast %dot_general3A_51 : vector<3x3616xf32> to vector<3x16x226xf32>
    %slice3A_53 = vector.extract_strided_slice %reshape3A_52 {offsets = [0, 0, 2], sizes = [3, 16, 224], strides = [1, 1, 1]} : vector<3x16x226xf32> to vector<3x16x224xf32>
    %add3A_54 = arith.addf %add3A_43, %slice3A_53 : vector<3x16x224xf32>
    %slice3A_55 = vector.extract_strided_slice %max3A_20 {offsets = [0, 1, 0], sizes = [128, 16, 226], strides = [1, 1, 1]} : vector<128x18x226xf32> to vector<128x16x226xf32>
    %reshape3A_56 = vector.shape_cast %slice3A_55 : vector<128x16x226xf32> to vector<128x3616xf32>
    %get3A_57 = arith.constant 0 : index
    %get3A_58 = arith.constant 0 : index
    %get3A_59 = arith.constant 1 : index
    %get3A_60 = arith.constant 0 : index
    %get3A_61 = vector.load %arg6[%get3A_57, %get3A_58, %get3A_59, %get3A_60] : memref<3x128x3x3xf32, #tpu.memory_space<vmem>>, vector<3x128x1x1xf32>
    %get3A_62 = vector.shape_cast %get3A_61 : vector<3x128x1x1xf32> to vector<3x128xf32>
    %dot_general3A_63 = arith.constant dense<0.000000e+00> : vector<3x3616xf32>
    %dot_general3A_64 = tpu.matmul %get3A_62, %reshape3A_56, %dot_general3A_63 {dimension_numbers = #tpu.dot_dimension_numbers<[1], [0], [0], [1], [0, 0, 1, 1], [], []>, transpose_lhs_hint = false} : vector<3x128xf32>, vector<128x3616xf32>, vector<3x3616xf32> -> vector<3x3616xf32>
    %reshape3A_65 = vector.shape_cast %dot_general3A_64 : vector<3x3616xf32> to vector<3x16x226xf32>
    %slice3A_66 = vector.extract_strided_slice %reshape3A_65 {offsets = [0, 0, 0], sizes = [3, 16, 224], strides = [1, 1, 1]} : vector<3x16x226xf32> to vector<3x16x224xf32>
    %add3A_67 = arith.addf %add3A_54, %slice3A_66 : vector<3x16x224xf32>
    %get3A_68 = arith.constant 0 : index
    %get3A_69 = arith.constant 0 : index
    %get3A_70 = arith.constant 1 : index
    %get3A_71 = arith.constant 1 : index
    %get3A_72 = vector.load %arg6[%get3A_68, %get3A_69, %get3A_70, %get3A_71] : memref<3x128x3x3xf32, #tpu.memory_space<vmem>>, vector<3x128x1x1xf32>
    %get3A_73 = vector.shape_cast %get3A_72 : vector<3x128x1x1xf32> to vector<3x128xf32>
    %dot_general3A_74 = arith.constant dense<0.000000e+00> : vector<3x3616xf32>
    %dot_general3A_75 = tpu.matmul %get3A_73, %reshape3A_56, %dot_general3A_74 {dimension_numbers = #tpu.dot_dimension_numbers<[1], [0], [0], [1], [0, 0, 1, 1], [], []>, transpose_lhs_hint = false} : vector<3x128xf32>, vector<128x3616xf32>, vector<3x3616xf32> -> vector<3x3616xf32>
    %reshape3A_76 = vector.shape_cast %dot_general3A_75 : vector<3x3616xf32> to vector<3x16x226xf32>
    %slice3A_77 = vector.extract_strided_slice %reshape3A_76 {offsets = [0, 0, 1], sizes = [3, 16, 224], strides = [1, 1, 1]} : vector<3x16x226xf32> to vector<3x16x224xf32>
    %add3A_78 = arith.addf %add3A_67, %slice3A_77 : vector<3x16x224xf32>
    %get3A_79 = arith.constant 0 : index
    %get3A_80 = arith.constant 0 : index
    %get3A_81 = arith.constant 1 : index
    %get3A_82 = arith.constant 2 : index
    %get3A_83 = vector.load %arg6[%get3A_79, %get3A_80, %get3A_81, %get3A_82] : memref<3x128x3x3xf32, #tpu.memory_space<vmem>>, vector<3x128x1x1xf32>
    %get3A_84 = vector.shape_cast %get3A_83 : vector<3x128x1x1xf32> to vector<3x128xf32>
    %dot_general3A_85 = arith.constant dense<0.000000e+00> : vector<3x3616xf32>
    %dot_general3A_86 = tpu.matmul %get3A_84, %reshape3A_56, %dot_general3A_85 {dimension_numbers = #tpu.dot_dimension_numbers<[1], [0], [0], [1], [0, 0, 1, 1], [], []>, transpose_lhs_hint = false} : vector<3x128xf32>, vector<128x3616xf32>, vector<3x3616xf32> -> vector<3x3616xf32>
    %reshape3A_87 = vector.shape_cast %dot_general3A_86 : vector<3x3616xf32> to vector<3x16x226xf32>
    %slice3A_88 = vector.extract_strided_slice %reshape3A_87 {offsets = [0, 0, 2], sizes = [3, 16, 224], strides = [1, 1, 1]} : vector<3x16x226xf32> to vector<3x16x224xf32>
    %add3A_89 = arith.addf %add3A_78, %slice3A_88 : vector<3x16x224xf32>
    %slice3A_90 = vector.extract_strided_slice %max3A_20 {offsets = [0, 2, 0], sizes = [128, 16, 226], strides = [1, 1, 1]} : vector<128x18x226xf32> to vector<128x16x226xf32>
    %reshape3A_91 = vector.shape_cast %slice3A_90 : vector<128x16x226xf32> to vector<128x3616xf32>
    %get3A_92 = arith.constant 0 : index
    %get3A_93 = arith.constant 0 : index
    %get3A_94 = arith.constant 2 : index
    %get3A_95 = arith.constant 0 : index
    %get3A_96 = vector.load %arg6[%get3A_92, %get3A_93, %get3A_94, %get3A_95] : memref<3x128x3x3xf32, #tpu.memory_space<vmem>>, vector<3x128x1x1xf32>
    %get3A_97 = vector.shape_cast %get3A_96 : vector<3x128x1x1xf32> to vector<3x128xf32>
    %dot_general3A_98 = arith.constant dense<0.000000e+00> : vector<3x3616xf32>
    %dot_general3A_99 = tpu.matmul %get3A_97, %reshape3A_91, %dot_general3A_98 {dimension_numbers = #tpu.dot_dimension_numbers<[1], [0], [0], [1], [0, 0, 1, 1], [], []>, transpose_lhs_hint = false} : vector<3x128xf32>, vector<128x3616xf32>, vector<3x3616xf32> -> vector<3x3616xf32>
    %reshape3A_100 = vector.shape_cast %dot_general3A_99 : vector<3x3616xf32> to vector<3x16x226xf32>
    %slice3A_101 = vector.extract_strided_slice %reshape3A_100 {offsets = [0, 0, 0], sizes = [3, 16, 224], strides = [1, 1, 1]} : vector<3x16x226xf32> to vector<3x16x224xf32>
    %add3A_102 = arith.addf %add3A_89, %slice3A_101 : vector<3x16x224xf32>
    %get3A_103 = arith.constant 0 : index
    %get3A_104 = arith.constant 0 : index
    %get3A_105 = arith.constant 2 : index
    %get3A_106 = arith.constant 1 : index
    %get3A_107 = vector.load %arg6[%get3A_103, %get3A_104, %get3A_105, %get3A_106] : memref<3x128x3x3xf32, #tpu.memory_space<vmem>>, vector<3x128x1x1xf32>
    %get3A_108 = vector.shape_cast %get3A_107 : vector<3x128x1x1xf32> to vector<3x128xf32>
    %dot_general3A_109 = arith.constant dense<0.000000e+00> : vector<3x3616xf32>
    %dot_general3A_110 = tpu.matmul %get3A_108, %reshape3A_91, %dot_general3A_109 {dimension_numbers = #tpu.dot_dimension_numbers<[1], [0], [0], [1], [0, 0, 1, 1], [], []>, transpose_lhs_hint = false} : vector<3x128xf32>, vector<128x3616xf32>, vector<3x3616xf32> -> vector<3x3616xf32>
    %reshape3A_111 = vector.shape_cast %dot_general3A_110 : vector<3x3616xf32> to vector<3x16x226xf32>
    %slice3A_112 = vector.extract_strided_slice %reshape3A_111 {offsets = [0, 0, 1], sizes = [3, 16, 224], strides = [1, 1, 1]} : vector<3x16x226xf32> to vector<3x16x224xf32>
    %add3A_113 = arith.addf %add3A_102, %slice3A_112 : vector<3x16x224xf32>
    %get3A_114 = arith.constant 0 : index
    %get3A_115 = arith.constant 0 : index
    %get3A_116 = arith.constant 2 : index
    %get3A_117 = arith.constant 2 : index
    %get3A_118 = vector.load %arg6[%get3A_114, %get3A_115, %get3A_116, %get3A_117] : memref<3x128x3x3xf32, #tpu.memory_space<vmem>>, vector<3x128x1x1xf32>
    %get3A_119 = vector.shape_cast %get3A_118 : vector<3x128x1x1xf32> to vector<3x128xf32>
    %dot_general3A_120 = arith.constant dense<0.000000e+00> : vector<3x3616xf32>
    %dot_general3A_121 = tpu.matmul %get3A_119, %reshape3A_91, %dot_general3A_120 {dimension_numbers = #tpu.dot_dimension_numbers<[1], [0], [0], [1], [0, 0, 1, 1], [], []>, transpose_lhs_hint = false} : vector<3x128xf32>, vector<128x3616xf32>, vector<3x3616xf32> -> vector<3x3616xf32>
    %reshape3A_122 = vector.shape_cast %dot_general3A_121 : vector<3x3616xf32> to vector<3x16x226xf32>
    %slice3A_123 = vector.extract_strided_slice %reshape3A_122 {offsets = [0, 0, 2], sizes = [3, 16, 224], strides = [1, 1, 1]} : vector<3x16x226xf32> to vector<3x16x224xf32>
    %add3A_124 = arith.addf %add3A_113, %slice3A_123 : vector<3x16x224xf32>
    %get3A_125 = arith.constant 0 : index
    %get3A_126 = vector.load %arg7[%get3A_125] : memref<3xf32, #tpu.memory_space<vmem>>, vector<3xf32>
    %broadcast_in_dim3A_127 = vector.shape_cast %get3A_126 : vector<3xf32> to vector<3x1x1xf32>
    %add3A_128 = vector.broadcast %broadcast_in_dim3A_127 : vector<3x1x1xf32> to vector<3x16x224xf32>
    %add3A_129 = arith.addf %add3A_124, %add3A_128 : vector<3x16x224xf32>
    %broadcast_in_dim3A_130 = vector.shape_cast %add3A_129 : vector<3x16x224xf32> to vector<1x3x16x224xf32>
    %swap3A = arith.constant 0 : index
    %swap3A_131 = arith.constant 0 : index
    %swap3A_132 = arith.constant 0 : index
    %swap3A_133 = arith.constant 0 : index
    %swap3A_134 = vector.load %arg8[%swap3A, %swap3A_131, %swap3A_132, %swap3A_133] : memref<1x3x16x224xf32, #tpu.memory_space<vmem>>, vector<1x3x16x224xf32>
    tpu.vector_store %arg8[%swap3A, %swap3A_131, %swap3A_132, %swap3A_133], %broadcast_in_dim3A_130 {strides = array<i32>} : memref<1x3x16x224xf32, #tpu.memory_space<vmem>>, vector<1x3x16x224xf32>,
    return
  }
  func.func @transform_0(%arg0: i32, %arg1: i32) -> (i32, i32, i32, i32) {
    %c0_i32 = arith.constant 0 : i32
    %c0_i32_0 = arith.constant 0 : i32
    %c0_i32_1 = arith.constant 0 : i32
    return %arg0, %c0_i32, %arg1, %c0_i32_0 : i32, i32, i32, i32
  }
  func.func @transform_1(%arg0: i32, %arg1: i32) -> (i32, i32, i32, i32, i32) {
    %c0_i32 = arith.constant 0 : i32
    %c0_i32_0 = arith.constant 0 : i32
    %c0_i32_1 = arith.constant 0 : i32
    %c0_i32_2 = arith.constant 0 : i32
    return %arg0, %c0_i32, %arg1, %c0_i32_0, %c0_i32_1 : i32, i32, i32, i32, i32
  }
  func.func @transform_2(%arg0: i32, %arg1: i32) -> i32 {
    %c0_i32 = arith.constant 0 : i32
    %c0_i32_0 = arith.constant 0 : i32
    return %c0_i32 : i32
  }
  func.func @transform_3(%arg0: i32, %arg1: i32) -> i32 {
    %c0_i32 = arith.constant 0 : i32
    %c0_i32_0 = arith.constant 0 : i32
    return %c0_i32 : i32
  }
  func.func @transform_4(%arg0: i32, %arg1: i32) -> (i32, i32, i32, i32) {
    %c0_i32 = arith.constant 0 : i32
    %c0_i32_0 = arith.constant 0 : i32
    %c0_i32_1 = arith.constant 0 : i32
    %c0_i32_2 = arith.constant 0 : i32
    %c0_i32_3 = arith.constant 0 : i32
    return %c0_i32, %c0_i32_0, %c0_i32_1, %c0_i32_2 : i32, i32, i32, i32
  }
  func.func @transform_5(%arg0: i32, %arg1: i32) -> i32 {
    %c0_i32 = arith.constant 0 : i32
    %c0_i32_0 = arith.constant 0 : i32
    return %c0_i32 : i32
  }
  func.func @transform_6(%arg0: i32, %arg1: i32) -> (i32, i32, i32, i32) {
    %c0_i32 = arith.constant 0 : i32
    %c0_i32_0 = arith.constant 0 : i32
    %c0_i32_1 = arith.constant 0 : i32
    return %arg0, %c0_i32, %arg1, %c0_i32_0 : i32, i32, i32, i32
  }
}

</mosaic_0001>

<sc_bundles>
// kernel: gather_offload_async_start
scs
__scs_entry_jumppad:
0x0: {  	(pc) =	sbr.rel $0x88, $3  }
0x1: {  	(tag) =	ssettag $0x0;
	lr =	simm.s32 $0x1  }
0x2: {  	[smem:$0x3F8B] =	sst lr;
	_ =	strace $0xD0000000  }
0x3: {  	_ = 	snop  }
0x4: {  	_ = 	snop  }
0x5: {  	_ = 	snop  }
0x6: {  	_ = 	snop  }
0x7: {  	_ = 	snop  }
__scs_overlays_trampoline_lowered:
0x8: {  	[smem:$0x3F9A] =	sst s0  }
0x9: {  	[smem:$0x3F9B] =	sst s1  }
0xa: {  	[smem:$0x3F9C] =	sst s2  }
0xb: {  	[smem:$0x3F9D] =	sst s3  }
0xc: {  	[smem:$0x3F9E] =	sst s4  }
0xd: {  	[smem:$0x3F9F] =	sst s5  }
0xe: {  	[smem:$0x3FA0] =	sst s6  }
0xf: {  	[smem:$0x3FA1] =	sst s7  }
0x10: {  	[smem:$0x3FA2] =	sst s8  }
0x11: {  	[smem:$0x3FA3] =	sst s9;
	s0 =	simm.s32 @!p0 $0x0  }
0x12: {  	s1 =	sld [smem:$0x3F89];
	s0 =	simm.s32 @p0 $0x1  }
0x13: {  	[smem:$0x3FA4] =	sst s0;
	s0 =	simm.s32 @!p1 $0x0  }
0x14: {  	s2 =	sld [smem:$0x3F88];
	s0 =	simm.s32 @p1 $0x1  }
0x15: {  	[smem:$0x3FA5] =	sst s0;
	s0 =	simm.s32 @!p2 $0x0  }
0x16: {  	s3 =	sld [smem:$0x3FDB];
	s0 =	simm.s32 @p2 $0x1  }
0x17: {  	s4 =	simm.s32 $0x1BF5;
	[smem:$0x3FA7] =	sst s0  }
0x18: {  	s0 =	sld [smem:$0x3F8A];
	_ =	swait.ge [sflag:s4], $0x0  }
0x19: {  	s7 =	sld [smem:$0x3F8B]  }
0x1a: {  	s8 =	sadd.s32 $0xFFFFE003, lr  }
0x1b: {  	s9 =	sadd.s32 $0xFFFFFEF7, lr;
	s5 =	simm.s32 $0xFFFFFFFF;
	p2 =	slt.u32 s8, $0xFFFFF086  }
0x1c: {  	p1 =	slt.u32 s9, $0xF7A;
	s5 =	simm.s32 @!p2 $0x0  }
0x1d: {  	s5 =	simm.s32 @p1 $0x1;
	p0 =	seq.s32 s7, s2  }
0x1e: {  	s7 =	smul.u32 @!p0 $0xF7A, s2;
	p2 =	seq.s32 @!p0 s5, $0x0  }
0x1f: {  	s9 =	smul.u32 $0xF7A, s1;
	s8 =	simm.s32 @!p0 $0x1BF5;
	p2 =	por !p2, p0  }
0x20: {  	[sflag:s8] =	ssyncset.s32 @!p0 $0xFFFFF086;
	s6 =	sadd.s32 @!p0 s3, s7;
	s7 =	simm.s32 @!p0 $0x108  }
0x21: {  	s3 =	sadd.s32 s3, s9;
	s6 =	sadd.s32 @!p0 $0x88, s6;
	s7 =	simm.s32 @p2 $0x1082  }
0x22: {  	[simem:s7], [sflag:s8] =	dma.local @!p0 [hbm:s6], $0xF7A  }
0x23: {  	s9 =	sor.u32 $0xD0000000, s2;
	s6 =	simm.s32 $0x108;
	_ =	swait.ge @!p0 [sflag:s8], $0x0  }
0x24: {  	s3 =	sadd.s32 $0x88, s3;
	s6 =	simm.s32 @!p1 $0x1082;
	[sflag:s4] =	ssyncset.s32 $0xFFFFF086  }
0x25: {  	[simem:s6], [sflag:s4] =	dma.local [hbm:s3], $0xF7A  }
0x26: {  	[smem:$0x3F8B] =	sst s1;
	(tag) =	ssettag s2;
	_ =	strace s9  }
0x27: {  	s1 =	sld [smem:$0x3F9B]  }
0x28: {  	s2 =	sld [smem:$0x3F9C]  }
0x29: {  	s4 =	sld [smem:$0x3F9E]  }
0x2a: {  	p0 =	seq.s32 s5, $0x0;
	s5 =	sld [smem:$0x3F9F]  }
0x2b: {  	s6 =	sld [smem:$0x3FA0]  }
0x2c: {  	s7 =	sld [smem:$0x3FA1]  }
0x2d: {  	s3 =	simm.s32 $0x108;
	s8 =	sld [smem:$0x3FA2]  }
0x2e: {  	s3 =	simm.s32 @!p0 $0x1082;
	s9 =	sld [smem:$0x3FA3]  }
0x2f: {  	lr =	sadd.s32 s0, s3;
	s0 =	sld [smem:$0x3F9A]  }
0x30: {  	s3 =	sld [smem:$0x3F9D]  }
0x31: {  	[smem:$0x3FA6] =	sst s10  }
0x32: {  	s10 =	sld [smem:$0x3FA4];
	_ =	sdelay $0x3  }
0x33: {  	p0 =	seq.s32 s10, $0x1;
	s10 =	sld [smem:$0x3FA6];
	_ =	sdelay $0x3  }
0x34: {  	[smem:$0x3FA6] =	sst s10  }
0x35: {  	s10 =	sld [smem:$0x3FA5];
	_ =	sdelay $0x3  }
0x36: {  	p1 =	seq.s32 s10, $0x1;
	s10 =	sld [smem:$0x3FA6];
	_ =	sdelay $0x3  }
0x37: {  	[smem:$0x3FA6] =	sst s10  }
0x38: {  	s10 =	sld [smem:$0x3FA7]  }
0x39: {  	_ = 	snop;
	(pc) =	sbr.ind lr, $3  }
0x3a: {  	_ = 	snop  }
0x3b: {  	_ = 	snop  }
0x3c: {  	p2 =	seq.s32 s10, $0x1;
	s10 =	sld [smem:$0x3FA6]  }
0x3d: {  	_ =	shalt  }
0x3e: {  	_ =	shalt  }
0x3f: {  	_ =	shalt  }
0x40: {  	_ =	shalt  }
0x41: {  	_ =	shalt  }
0x42: {  	_ =	shalt  }
0x43: {  	_ =	shalt  }
0x44: {  	_ =	shalt  }
0x45: {  	_ =	shalt  }
0x46: {  	_ =	shalt  }
0x47: {  	_ =	shalt  }
0x48: {  	_ =	shalt  }
0x49: {  	_ =	shalt  }
0x4a: {  	_ =	shalt  }
0x4b: {  	_ =	shalt  }
0x4c: {  	_ =	shalt  }
0x4d: {  	_ =	shalt  }
0x4e: {  	_ =	shalt  }
0x4f: {  	_ =	shalt  }
0x50: {  	_ =	shalt  }
0x51: {  	_ =	shalt  }
0x52: {  	_ =	shalt  }
0x53: {  	_ =	shalt  }
0x54: {  	_ =	shalt  }
0x55: {  	_ =	shalt  }
0x56: {  	_ =	shalt  }
0x57: {  	_ =	shalt  }
0x58: {  	_ =	shalt  }
0x59: {  	_ =	shalt  }
0x5a: {  	_ =	shalt  }
0x5b: {  	_ =	shalt  }
0x5c: {  	_ =	shalt  }
0x5d: {  	_ =	shalt  }
0x5e: {  	_ =	shalt  }
0x5f: {  	_ =	shalt  }
0x60: {  	_ =	shalt  }
0x61: {  	_ =	shalt  }
0x62: {  	_ =	shalt  }
0x63: {  	_ =	shalt  }
0x64: {  	_ =	shalt  }
0x65: {  	_ =	shalt  }
0x66: {  	_ =	shalt  }
0x67: {  	_ =	shalt  }
0x68: {  	_ =	shalt  }
0x69: {  	_ =	shalt  }
0x6a: {  	_ =	shalt  }
0x6b: {  	_ =	shalt  }
0x6c: {  	_ =	shalt  }
0x6d: {  	_ =	shalt  }
0x6e: {  	_ =	shalt  }
0x6f: {  	_ =	shalt  }
0x70: {  	_ =	shalt  }
0x71: {  	_ =	shalt  }
0x72: {  	_ =	shalt  }
0x73: {  	_ =	shalt  }
0x74: {  	_ =	shalt  }
0x75: {  	_ =	shalt  }
0x76: {  	_ =	shalt  }
0x77: {  	_ =	shalt  }
0x78: {  	_ =	shalt  }
0x79: {  	_ =	shalt  }
0x7a: {  	_ =	shalt  }
0x7b: {  	_ =	shalt  }
0x7c: {  	_ =	shalt  }
0x7d: {  	_ =	shalt  }
0x7e: {  	_ =	shalt  }
0x7f: {  	_ =	shalt  }
0x80: {  	_ =	shalt  }
0x81: {  	_ =	shalt  }
0x82: {  	_ =	shalt  }
0x83: {  	_ =	shalt  }
0x84: {  	_ =	shalt  }
0x85: {  	_ =	shalt  }
0x86: {  	_ =	shalt  }
0x87: {  	_ =	shalt  }
.Lfunc_end0:
.L_simem_size_0:
called_computation.1_lowered:
.L_overlay_start_0:
0x88: {  	s2 =	sld [smem:$0x3FD9]  }
0x89: {  	s3 =	sld [smem:$0x3FFE];
	_ =	sdelay $0x1  }
0x8a: {  	s1 =	srdreg.scid  }
0x8b: {  	s0 =	sand.u32 $0x1, s1  }
0x8c: {  	s14 =	sshll.u32 s0, $0xA;
	s2 =	sadd.s32 s3, s2  }
0x8d: {  	s2 =	sadd.s32 s2, s14  }
0x8e: {  	[smem:$0x3FB2] =	sst s2  }
0x8f: {  	_ = 	snop  }
0x90: {  	s2 =	sld [smem:$0x3FD0];
	_ =	sdelay $0x2  }
0x91: {  	s15 =	simm.s32 $0xA;
	s4 =	simm.s32 $0x10  }
0x92: {  	[smem:s4], [sflag:s15] =	dma.local [hbm:s2], $0x1  }
0x93: {  	_ =	swait.eq [sflag:s15], $0x1  }
0x94: {  	[sflag:s15] =	ssyncset.done $0x0  }
0x95: {  	[sflag:s15] =	ssyncadd.s32 $0xFFFFFFFF  }
0x96: {  	s16 =	sld [smem:$0x10];
	(tm) =	ssettm $0x1  }
0x97: {  	s17 =	sld [smem:$0x3FFB];
	_ =	sdelay $0x3  }
0x98: {  	_ =	strace s17  }
0x99: {  	s3 =	sld [smem:$0x3FFC];
	_ =	sdelay $0x3  }
0x9a: {  	_ =	strace s3  }
0x9b: {  	s3 =	sld [smem:$0x3FFD];
	_ =	sdelay $0x3  }
0x9c: {  	_ =	strace s3  }
0x9d: {  	_ =	strace $0x8FFFFFFF  }
0x9e: {  	s18 =	sld [smem:$0x3FDB];
	_ =	sdelay $0x1  }
0x9f: {  	s19 =	simm.s32 $_scs_section_size  }
0xa0: {  	s5 =	simm.s32 $_size__tile_overlayer_lowered;
	s6 =	simm.s32 $_tile_overlayer_lowered  }
0xa1: {  	s22 =	simm.s32 $0x1BFF;
	s21 =	sshll.u32 s6, $0x1;
	s3 =	sadd.s32 s19, s18  }
0xa2: {  	s7 =	simm.s32 $0x0;
	s20 =	sshll.u32 s5, $0x1;
	s5 =	sadd.s32 s21, s3  }
0xa3: {  	[timem:s7], [sflag:s22] =	dma.local [hbm:s5], s20  }
0xa4: {  	_ =	swait.ge [sflag:s22], s20  }
0xa5: {  	s4 =	ssub.s32 $0x0, s20;
	[sflag:s22] =	ssyncset.done $0x0  }
0xa6: {  	[sflag:s22] =	ssyncadd.s32 s4;
	_ =	sdelay $0x1  }
0xa7: {  	s23 =	simm.s32 $0x1B8B  }
0xa8: {  	_ =	swait.ge [sflag:s23], $0x1  }
0xa9: {  	[sflag:s23] =	ssyncset.done $0x0  }
0xaa: {  	s25 =	simm.s32 $0x1B8E;
	s24 =	sld [smem:$0x3FFE];
	[sflag:s23] =	ssyncadd.s32 $0xFFFFFFFF  }
0xab: {  	s26 =	simm.s32 $execute0_lowered;
	[smem:$0x3FD2] =	sst s25  }
0xac: {  	s5 =	sshll.u32 s26, $0x1;
	_ =	strace $0x80000046;
	[dreg:$0x1] =	wrdreg $0xFFFFFFFF  }
0xad: {  	s28 =	simm.s32 $_size_execute0_lowered;
	s3 =	sadd.s32 s3, s5;
	[dreg:$0x0] =	wrdreg $0x0  }
0xae: {  	s5 =	sshll.u32 s28, $0x1;
	[dreg:$0x2] =	wrdreg s3  }
0xaf: {  	[dreg:$0x3] =	wrdreg s5  }
0xb0: {  	[dreg:$0x4] =	wrdreg $0xC0  }
0xb1: {  	_ =	task [dreg:s7], $0x5FFFF  }
0xb2: {  	[dreg:$0x1] =	wrdreg $0xFFFFFFFF  }
0xb3: {  	[dreg:$0x0] =	wrdreg $0x60  }
0xb4: {  	[dreg:$0x2] =	wrdreg s24  }
0xb5: {  	[dreg:$0x3] =	wrdreg s16  }
0xb6: {  	[dreg:$0x4] =	wrdreg $0x9  }
0xb7: {  	_ =	task.clear_ibuf [dreg:s7], $0x5FFFF;
	_ =	strace $0x90000046  }
0xb8: {  	s29 =	simm.s32 $0x9;
	_ =	strace $0x80000048  }
0xb9: {  	_ =	swait.ge [sflag:s29], $0x1  }
0xba: {  	[sflag:s29] =	ssyncadd.s32 $0xFFFFFFFF  }
0xbb: {  	_ =	strace $0x90000048  }
0xbc: {  	_ =	sfence  }
0xbd: {  	s30 =	sld [smem:$0x0];
	_ =	sdelay $0x2  }
0xbe: {  	s31 =	sshll.u32 s1, $0xD;
	s1 =	sshrl.u32 s1, $0x2  }
0xbf: {  	s3 =	sand.u32 $0x4000, s31;
	s1 =	sadd.s32 s1, s30  }
0xc0: {  	s0 =	sor.u32 s3, s0;
	s1 =	sshll.u32 s1, $0x11  }
0xc1: {  	s0 =	sor.u32 s1, s0  }
0xc2: {  	s0 =	sadd.s32 $0x8F2B, s0  }
0xc3: {  	[sflag:s0] =	ssyncadd.remote.s32 $0x1  }
0xc4: {  	_ =	sfence.sel $0xFFFF  }
0xc5: {  	[dreg:$0x0] =	wrdreg $0xFFFFFFFF;
	(pc) =	sbr.abs _section_cstart, $3  }
0xc6: {  	[dreg:$0x1] =	wrdreg $0xFFFFFFFF  }
0xc7: {  	_ =	task.clear_ibuf [dreg:s7], $0x2FFFF;
	_ =	strace $0x9FFFFFFF  }
0xc8: {  	(tm) =	ssettm $0x7FFFFFFF  }
0xc9: {  	_ =	shalt  }
tec
execute0_lowered:
.L_overlay_start_1:
0x0: {  	(tag) =	ssettag $0x1  }
0x1: {  	s0 =	srdreg.scid;
	s2 =	rddreg [dreg:$0x0]  }
0x2: {  	s3 =	rddreg [dreg:$0x1];
	s1 =	stileid.u32  }
0x3: {  	s7 =	simm.s32 $0x2;
	s9 =	simm.s32 $0x3;
	s0 =	sshll.u32 s0, $0x4  }
0x4: {  	s14 =	simm.s32 $0x0;
	s10 =	simm.s32 $0x308;
	s4 =	sand.u32 $0x10, s0  }
.Ltmp0:
0x5: {  	s0 =	rddreg [dreg:$0x2];
	s5 =	sor.u32 s1, s4;
	(pc) =	sbr.rel .LBB2_1-.Ltmp0, $4  }
0x6: {  	_ =	strace $0x80000047;
	s4 =	simm.s32 $0x1;
	s5 =	smul.u32 $0x188, s5  }
0x7: {  	s11 =	simm.s32 $0x18710;
	s12 =	simm.s32 $0x0;
	[sflag:s4] =	ssyncpa.u1 $0x0  }
0x8: {  	s6 =	sadd.s32 $0x51000, s2;
	[sflag:s7] =	ssyncpa.u1 $0x0;
	s8 =	sadd.s32 $0x188, s5  }
0x9: {  	vm0 =	vmmov $0xff;
	vm1 =	vcmask $0x3F20;
	[sflag:s9] =	ssyncpa.u1 $0x0;
	s9 =	simm.s32 $0x188;
	s13 =	smov.u32 s5  }
.LBB2_10:
0xa: {  	s14 =	sshrl.u32 s13, $0x3  }
0xb: {  	s15 =	sand.u32 $0x7, s13;
	s14 =	sadd.s32 s3, s14  }
0xc: {  	[tilespmem:s9], [sflag:$0x2] =	stream.linear.gather [hbm4b:s14+s15], $0x188, $0x38;
	[tilespmem:$0x18B10] =	vst v63  }
.LBB2_8:
0xd: {  	s14 =	sadd.s32 $0x188, s13  }
0xe: {  	s15 =	smov.u32 s5;
	p0 =	slt.s32 s14, s8  }
0xf: {  	s15 =	smov.u32 @p0 s14  }
0x10: {  	s12 =	sadd.s32 $0x1, s12;
	s14 =	smov.u32 s13;
	s13 =	smov.u32 s15  }
.LBB2_1:
0x11: {  	p0 =	seq.s32 s12, $0x0  }
.Ltmp1:
0x12: {  	_ = 	snop;
	(pc) =	sbr.rel @p0 .LBB2_10-.Ltmp1, $1  }
0x13: {  	_ =	sdelay $0x3  }
0x14: {  	p0 =	seq.s32 s12, $0x1  }
.Ltmp2:
0x15: {  	_ = 	snop;
	(pc) =	sbr.rel @!p0 .LBB2_9-.Ltmp2, $1  }
0x16: {  	_ =	sdelay $0x3  }
0x17: {  	_ =	swait.ge [sflag:s7], $0x188  }
0x18: {  	[sflag:s7] =	ssyncset.done $0x0  }
0x19: {  	s15 =	simm.s32 $0x0;
	[sflag:s7] =	ssyncadd.s32 $0xFFFFFE78  }
0x1a: {  	v0 =	vld.msk [tilespmem:s15+$0x188 ss:$0x1], $0xffff;
	_ =	sdelay $0x4  }
0x1b: {  	vm2 =	vgt.s32 v0, $0x0  }
0x1c: {  	v0 =	vnsel vm2, $0x0, v0  }
0x1d: {  	v0 =	vmin.u32 v0, $0x1FFF  }
0x1e: {  	v0 =	vshll.u32 v0, $0x4;
	_ =	sdelay $0x3  }
0x1f: {  	s15 =	simm.s32 $0xC710  }
0x20: {  	[tilespmem:s15], [sflag:$0x1] =	stream.indirect_vreg.gather [hbm:s2], $0x80, v0, vm0, $0x38;
	[tilespmem:$0x18B10] =	vst v63  }
0x21: {  	s16 =	simm.s32 $0xCB10;
	s31 =	simm.s32 $0x10  }
0x22: {  	[tilespmem:s16], [sflag:$0x1] =	stream.indirect_vreg.gather [hbm:s2], $0x80, v0, vm1, $0x38;
	[tilespmem:$0x18B10] =	vst v63  }
0x23: {  	s16 =	simm.s32 $0x80;
	v0 =	vld.msk [tilespmem:s31+$0x188 ss:$0x1], $0xffff  }
.LBB2_4:
0x24: {  	p0 =	sne.s32 s16, $0x5C0;
	_ =	sdelay $0x4  }
0x25: {  	vm2 =	vgt.s32 v0, $0x0  }
0x26: {  	v0 =	vnsel vm2, $0x0, v0  }
0x27: {  	v0 =	vmin.u32 v0, $0x1FFF  }
0x28: {  	v0 =	vshll.u32 v0, $0x4;
	_ =	sdelay $0x3  }
.Ltmp3:
0x29: {  	s15 =	sadd.s32 $0x800, s15;
	(pc) =	sbr.rel @p0 .LBB2_4-.Ltmp3, $4  }
0x2a: {  	[tilespmem:s15], [sflag:$0x1] =	stream.indirect_vreg.gather [hbm:s2], $0x80, v0, vm0, $0x38;
	[tilespmem:$0x18B10] =	vst v63  }
0x2b: {  	s17 =	sshra.s32 s16, $0x2;
	s18 =	sadd.s32 $0x400, s15  }
0x2c: {  	[tilespmem:s18], [sflag:$0x1] =	stream.indirect_vreg.gather [hbm:s2], $0x80, v0, vm1, $0x38;
	[tilespmem:$0x18B10] =	vst v63  }
0x2d: {  	s16 =	sadd.s32 $0x40, s16;
	v0 =	vld.msk [tilespmem:s17+$0x188 ss:$0x1], $0xffff  }
0x2e: {  	_ =	sdelay $0x3  }
0x2f: {  	vm2 =	vgt.s32 v0, $0x0  }
0x30: {  	v0 =	vnsel vm2, $0x0, v0  }
0x31: {  	v0 =	vmin.u32 v0, $0x1FFF  }
0x32: {  	v0 =	vshll.u32 v0, $0x4;
	_ =	sdelay $0x3  }
0x33: {  	s15 =	sadd.s32 $0x800, s15  }
0x34: {  	[tilespmem:s15], [sflag:$0x1] =	stream.indirect_vreg.gather [hbm:s2], $0x80, v0, vm0, $0x38;
	[tilespmem:$0x18B10] =	vst v63  }
0x35: {  	s15 =	sadd.s32 $0x400, s15  }
0x36: {  	[tilespmem:s15], [sflag:$0x1] =	stream.indirect_vreg.gather [hbm:s2], $0x80, v0, vm1, $0x38;
	[tilespmem:$0x18B10] =	vst v63  }
0x37: {  	v0 =	vld.msk [tilespmem:s10+$0x0 ss:$0x1], $0xff;
	_ =	sdelay $0x4  }
0x38: {  	vm2 =	vgt.s32 v0, $0x0  }
0x39: {  	v0 =	vnsel vm2, $0x0, v0  }
0x3a: {  	v0 =	vmin.u32 v0, $0x1FFF  }
0x3b: {  	v0 =	vshll.u32 v0, $0x4;
	_ =	sdelay $0x4  }
0x3c: {  	[tilespmem:s11], [sflag:$0x1] =	stream.indirect_vreg.gather [hbm:s2], $0x80, v0, vm0, $0x38;
	[tilespmem:$0x18B10] =	vst v63  }
0x3d: {  	s14 =	sshll.u32 s14, $0x4;
	s16 =	simm.s32 $0x80;
	_ =	swait.ge [sflag:s4], $0xC400  }
0x3e: {  	s17 =	simm.s32 $0xCB10;
	s14 =	sadd.s32 s14, s6;
	[sflag:s4] =	ssyncset.done $0x0  }
0x3f: {  	s18 =	sadd.s32 $0x0, s14;
	s15 =	simm.s32 $0xC710;
	[sflag:s4] =	ssyncadd.s32 $0xFFFF3C00  }
.LBB2_6:
0x40: {  	[hbm:s18] =	stream.linear.scatter [tilespmem:s15], [sflag:$0x3], $0x400, $0x38;
	[tilespmem:$0x18B10] =	vst v63  }
0x41: {  	s18 =	smov.u32 s16;
	s15 =	smov.u32 s17;
	p0 =	seq.s32 s16, $0x1800  }
.Ltmp4:
0x42: {  	s16 =	sadd.s32 $0x80, s16;
	(pc) =	sbr.rel @!p0 .LBB2_6-.Ltmp4, $2  }
0x43: {  	_ =	sdelay $0x2  }
0x44: {  	s17 =	sadd.s32 $0x400, s17;
	s18 =	sadd.s32 s18, s14  }
.Ltmp5:
0x45: {  	(pc) =	sbr.rel .LBB2_8-.Ltmp5, $2  }
0x46: {  	_ =	sdelay $0x2  }
0x47: {  	[hbm:s18] =	stream.linear.scatter [tilespmem:s15], [sflag:$0x3], $0x400, $0x38;
	[tilespmem:$0x18B10] =	vst v63  }
.LBB2_9:
0x48: {  	s2 =	simm.s32 $0x3  }
0x49: {  	_ =	swait.ge [sflag:s2], $0xC400  }
0x4a: {  	[sflag:s2] =	ssyncset.done $0x0  }
0x4b: {  	[sflag:s2] =	ssyncadd.s32 $0xFFFF3C00  }
0x4c: {  	_ =	sfence.sel $0x180000  }
0x4d: {  	s3 =	simm.s32 $0x2;
	[bflag:$0x0] =	sbarrier.arrive $0xFFFF  }
0x4e: {  	[sflag:s3] =	ssyncpa.u1 $0x1  }
0x4f: {  	s31 =	simm.s32 $0x1;
	[sflag:s2] =	ssyncpa.u1 $0x1  }
0x50: {  	[sflag:s31] =	ssyncpa.u1 $0x1  }
0x51: {  	p0 =	sne.s32 s1, $0x0;
	_ =	strace $0x90000047  }
0x52: {  	s0 =	sadd.s32 @!p0 $0x100000, s0;
	[bflag:$0x2] =	sbarrier.arrive $0xFFFF  }
0x53: {  	[sflag:s0] =	ssyncadd.tile.s32 @!p0 $0x1;
	_ =	shalt  }
.Lfunc_end2:
_tile_overlayer_lowered:
.L_overlay_start_2:
0x54: {  	(tag) =	ssettag $0x2  }
0x55: {  	s0 =	rddreg [dreg:$0x0];
	s2 =	stileid.u32  }
0x56: {  	s1 =	rddreg [dreg:$0x1];
	p0 =	sne.s32 s2, $0x0  }
0x57: {  	s3 =	rddreg [dreg:$0x2];
	[bflag:$0x3] =	sbarrier.arrive $0xFFFF;
	s2 =	simm.s32 @!p0 $0x1C01  }
0x58: {  	[timem:s3], [sflag:s2] =	dma.local @!p0 [hbm:s0], s1  }
0x59: {  	s0 =	simm.s32 @!p0 $0x1  }
0x5a: {  	_ =	swait.ge @!p0 [sflag:s0], s1  }
0x5b: {  	s1 =	ssub.s32 @!p0 $0x0, s1;
	[sflag:s0] =	ssyncset.done @!p0 $0x0  }
0x5c: {  	[sflag:s0] =	ssyncadd.s32 @!p0 s1  }
0x5d: {  	[bflag:$0x3] =	sbarrier.arrive $0xFFFF  }
0x5e: {  	_ =	shalt  }

// kernel: sparse-core-data-format-call.cloned.1.call-start
scs
called_computation_lowered:
.L_overlay_start_0:
0x0: {  	s1 =	sld [smem:$0x3FD9]  }
0x1: {  	s2 =	sld [smem:$0x3FFE];
	_ =	sdelay $0x1  }
0x2: {  	s3 =	srdreg.scid  }
0x3: {  	s0 =	sand.u32 $0x1, s3  }
0x4: {  	s17 =	sshll.u32 s0, $0xA;
	s1 =	sadd.s32 s2, s1  }
0x5: {  	s1 =	sadd.s32 s1, s17  }
0x6: {  	[smem:$0x3FB2] =	sst s1  }
0x7: {  	_ = 	snop  }
0x8: {  	(tm) =	ssettm $0x1  }
0x9: {  	s18 =	sld [smem:$0x3FFB];
	_ =	sdelay $0x3  }
0xa: {  	_ =	strace s18  }
0xb: {  	s1 =	sld [smem:$0x3FFC];
	_ =	sdelay $0x3  }
0xc: {  	_ =	strace s1  }
0xd: {  	s1 =	sld [smem:$0x3FFD];
	_ =	sdelay $0x3  }
0xe: {  	_ =	strace s1  }
0xf: {  	_ =	strace $0x8FFFFFFF  }
0x10: {  	s19 =	sld [smem:$0x3FDB];
	_ =	sdelay $0x1  }
0x11: {  	s20 =	simm.s32 $_scs_section_size  }
0x12: {  	s4 =	simm.s32 $_size__tile_overlayer_lowered;
	s5 =	simm.s32 $_tile_overlayer_lowered  }
0x13: {  	s23 =	simm.s32 $0x1BFF;
	s22 =	sshll.u32 s5, $0x1;
	s1 =	sadd.s32 s20, s19  }
0x14: {  	s6 =	simm.s32 $0x0;
	s21 =	sshll.u32 s4, $0x1;
	s4 =	sadd.s32 s22, s1  }
0x15: {  	[timem:s6], [sflag:s23] =	dma.local [hbm:s4], s21  }
0x16: {  	_ =	swait.ge [sflag:s23], s21  }
0x17: {  	s2 =	ssub.s32 $0x0, s21;
	[sflag:s23] =	ssyncset.done $0x0  }
0x18: {  	[sflag:s23] =	ssyncadd.s32 s2;
	_ =	sdelay $0x1  }
0x19: {  	s24 =	simm.s32 $0x1B8B  }
0x1a: {  	_ =	swait.ge [sflag:s24], $0x1  }
0x1b: {  	[sflag:s24] =	ssyncset.done $0x0  }
0x1c: {  	s26 =	simm.s32 $0x1B8E;
	s25 =	sld [smem:$0x3FFE];
	[sflag:s24] =	ssyncadd.s32 $0xFFFFFFFF  }
0x1d: {  	s27 =	simm.s32 $execute0_lowered;
	[smem:$0x3FD2] =	sst s26  }
0x1e: {  	s4 =	sshll.u32 s27, $0x1;
	_ =	strace $0x80000049;
	[dreg:$0x1] =	wrdreg $0xFFFFFFFF  }
0x1f: {  	s28 =	simm.s32 $_size_execute0_lowered;
	s1 =	sadd.s32 s1, s4;
	[dreg:$0x0] =	wrdreg $0x0  }
0x20: {  	s4 =	sshll.u32 s28, $0x1;
	[dreg:$0x2] =	wrdreg s1  }
0x21: {  	[dreg:$0x3] =	wrdreg s4  }
0x22: {  	[dreg:$0x4] =	wrdreg $0xC0  }
0x23: {  	_ =	task [dreg:s6], $0x5FFFF  }
0x24: {  	[dreg:$0x1] =	wrdreg $0xFFFFFFFF  }
0x25: {  	[dreg:$0x0] =	wrdreg $0x60  }
0x26: {  	[dreg:$0x2] =	wrdreg s25  }
0x27: {  	[dreg:$0x3] =	wrdreg $0x9  }
0x28: {  	_ =	task.clear_ibuf [dreg:s6], $0x4FFFF;
	_ =	strace $0x90000049  }
0x29: {  	s29 =	simm.s32 $0x9;
	_ =	strace $0x8000004B  }
0x2a: {  	_ =	swait.ge [sflag:s29], $0x1  }
0x2b: {  	[sflag:s29] =	ssyncadd.s32 $0xFFFFFFFF  }
0x2c: {  	_ =	strace $0x9000004B  }
0x2d: {  	_ =	sfence  }
0x2e: {  	s30 =	sld [smem:$0x0];
	_ =	sdelay $0x2  }
0x2f: {  	s31 =	sshll.u32 s3, $0xD;
	s3 =	sshrl.u32 s3, $0x2  }
0x30: {  	s2 =	sand.u32 $0x4000, s31;
	s1 =	sadd.s32 s3, s30  }
0x31: {  	s0 =	sor.u32 s2, s0;
	s1 =	sshll.u32 s1, $0x11  }
0x32: {  	s0 =	sor.u32 s1, s0  }
0x33: {  	s0 =	sadd.s32 $0x8F2B, s0  }
0x34: {  	[sflag:s0] =	ssyncadd.remote.s32 $0x1  }
0x35: {  	_ =	sfence.sel $0xFFFF  }
0x36: {  	[dreg:$0x0] =	wrdreg $0xFFFFFFFF;
	(pc) =	sbr.abs _section_cstart, $3  }
0x37: {  	[dreg:$0x1] =	wrdreg $0xFFFFFFFF  }
0x38: {  	_ =	task.clear_ibuf [dreg:s6], $0x2FFFF;
	_ =	strace $0x9FFFFFFF  }
0x39: {  	(tm) =	ssettm $0x7FFFFFFF  }
tec
execute0_lowered:
.L_overlay_start_1:
0x0: {  	(tag) =	ssettag $0x1  }
0x1: {  	s1 =	rddreg [dreg:$0x0]  }
0x2: {  	s0 =	rddreg [dreg:$0x1];
	_ =	strace $0x8000004A  }
0x3: {  	s4 =	srdreg.scid;
	s6 =	simm.s32 $0x2;
	s12 =	simm.s32 $0x0  }
0x4: {  	p0 =	por $0x0, $0x0;
	s11 =	simm.s32 $0x0;
	s13 =	simm.s32 $0x0  }
.Ltmp0:
0x5: {  	s8 =	simm.s32 $0x0;
	s9 =	simm.s32 $0x0;
	(pc) =	sbr.rel .LBB1_1-.Ltmp0, $4  }
0x6: {  	s2 =	sadd.s32 $0x20A400, s1;
	s3 =	sadd.s32 $0x51A400, s1;
	s4 =	sshll.u32 s4, $0x4  }
0x7: {  	s1 =	stileid.u32;
	s5 =	sand.u32 $0x10, s4;
	s4 =	simm.s32 $0x1  }
0x8: {  	s7 =	simm.s32 $0x0;
	s5 =	sor.u32 s1, s5;
	[sflag:s4] =	ssyncpa.u1 $0x0  }
0x9: {  	[sflag:s6] =	ssyncpa.u1 $0x0;
	s6 =	simm.s32 $0xE000;
	s10 =	smov.u32 s5  }
.LBB1_5:
0xa: {  	s14 =	sadd.s32 $0x1, s8  }
0xb: {  	s11 =	sadd.s32 $0x80, s9;
	s15 =	smov.u32 s9;
	p2 =	sgt.s32 s14, $0x3  }
0xc: {  	s15 =	smov.u32 @p2 s11  }
0xd: {  	s17 =	smov.u32 s10;
	s11 =	sadd.s32 $0x20, s10;
	p3 =	sgt.s32 s15, $0xDF  }
0xe: {  	p1 =	slt.u32 s7, $0x2;
	s17 =	smov.u32 @p3 s11  }
0xf: {  	s7 =	sadd.s32 $0x1, s7;
	s14 =	simm.s32 @p2 $0x0;
	p2 =	sgt.s32 s17, $0xDF  }
0x10: {  	s17 =	smov.u32 @p2 s5;
	p2 =	sne.s32 s7, $0x3A  }
.Ltmp1:
0x11: {  	s16 =	simm.s32 @!p1 $0x2;
	(pc) =	sbr.rel @!p2 .LBB1_6-.Ltmp1, $4  }
0x12: {  	s12 =	smov.u32 s8;
	_ =	swait.ge @!p1 [sflag:s16], $0x4000  }
0x13: {  	s13 =	smov.u32 s10;
	p0 =	por !p0, !p0;
	[sflag:s16] =	ssyncset.done @!p1 $0x0  }
0x14: {  	s8 =	smov.u32 s14;
	s15 =	simm.s32 @p3 $0x0;
	s11 =	smov.u32 s9  }
0x15: {  	[sflag:s16] =	ssyncadd.s32 @!p1 $0xFFFFC000;
	s9 =	smov.u32 s15;
	s10 =	smov.u32 s17  }
.LBB1_1:
0x16: {  	p1 =	sgt.u32 s7, $0x37;
	s14 =	smov.u32 s10  }
0x17: {  	s17 =	smov.u32 s9;
	p2 =	sgt.s32 @!p1 s10, $0xDF;
	s15 =	sxor.u32 @!p1 $0xFFFFFFFF, s7  }
0x18: {  	s16 =	sshra.s32 @!p1 s10, $0x1F;
	s18 =	sshra.s32 @!p1 s9, $0x1F;
	p2 =	por !p2, p1  }
0x19: {  	s16 =	sand.u32 @!p1 s16, s10;
	s14 =	simm.s32 @p2 $0xDF;
	p2 =	sgt.s32 @!p1 s9, $0x60  }
0x1a: {  	s18 =	sand.u32 @!p1 s18, s9;
	p2 =	por !p2, p1;
	s14 =	ssub.s32 @!p1 s14, s16  }
0x1b: {  	s17 =	simm.s32 @p2 $0x60;
	p2 =	sgt.s32 @!p1 s8, $0x3;
	s14 =	sadd.s32 @!p1 $0xFFFFFF21, s14  }
0x1c: {  	s16 =	ssub.s32 @!p1 s17, s18;
	p2 =	por !p2, p1;
	s18 =	smov.u32 s8  }
0x1d: {  	s17 =	sadd.s32 @!p1 $0xFFFFFFA0, s16;
	s18 =	simm.s32 @p2 $0x3;
	p2 =	sgt.s32 @!p1 s14, $0x0  }
0x1e: {  	s14 =	sshll.u32 @!p1 s14, $0x7;
	p3 =	sgt.s32 @!p1 s17, $0x7F;
	s17 =	sshra.s32 @!p1 s8, $0x1F  }
0x1f: {  	s16 =	ssub.s32 @!p1 $0xE0, s16;
	s14 =	ssub.s32 @!p1 $0x80, s14;
	s17 =	sand.u32 @!p1 s17, s8  }
0x20: {  	p2 =	por !p2, p1;
	p3 =	por !p3, p1;
	s17 =	ssub.s32 @!p1 s18, s17  }
0x21: {  	s14 =	simm.s32 @!p2 $0x0;
	s16 =	simm.s32 @!p3 $0x0;
	s18 =	sadd.s32 @!p1 $0xFFFFFFFD, s17  }
0x22: {  	s15 =	sshll.u32 @!p1 s15, $0xE;
	s14 =	smul.u32 @!p1 s16, s14;
	p3 =	sgt.s32 @!p1 s18, $0x0  }
0x23: {  	s17 =	ssub.s32 @!p1 $0x4, s17;
	s16 =	smul.u32 @!p1 $0x3800, s10;
	p2 =	por !p3, p1  }
0x24: {  	s15 =	sand.u32 @!p1 $0x4000, s15;
	s18 =	sshll.u32 @!p1 s8, $0x4;
	s17 =	simm.s32 @!p2 $0x0  }
0x25: {  	s16 =	sadd.s32 @!p1 s2, s16;
	s14 =	smul.u32 @!p1 s17, s14;
	s17 =	sshll.u32 @!p1 s9, $0x6  }
0x26: {  	s18 =	sand.u32 @!p1 $0x30, s18;
	s16 =	sadd.s32 @!p1 s17, s16;
	s17 =	simm.s32 @!p1 $0x80  }
0x27: {  	s14 =	sand.u32 @!p1 $0x3FFFFF80, s14;
	s16 =	sadd.s32 @!p1 s18, s16;
	s18 =	simm.s32 @!p1 $0x200  }
0x28: {  	[tilespmem:s15], [sflag:$0x1] =	stream.strided.gather @!p1 [hbm4b:s16+s17], s14, s18, s17, $0x38;
	[tilespmem:$0x10100] =	vst v63  }
0x29: {  	p1 =	seq.s32 s7, $0x0  }
0x2a: {  	p2 =	seq.s32 @!p1 s7, $0x39  }
0x2b: {  	p1 =	por p1, p2  }
.Ltmp2:
0x2c: {  	_ = 	snop;
	(pc) =	sbr.rel @p1 .LBB1_5-.Ltmp2, $1  }
0x2d: {  	_ =	sdelay $0x3  }
0x2e: {  	p1 =	sgt.s32 s13, $0xDF  }
0x2f: {  	s14 =	smov.u32 s13;
	s15 =	sshra.s32 s13, $0x1F;
	s16 =	sshra.s32 s11, $0x1F  }
0x30: {  	p2 =	sgt.s32 s12, $0x3;
	s14 =	simm.s32 @!p1 $0xDF;
	s15 =	sand.u32 s15, s13  }
0x31: {  	s18 =	sshra.s32 s12, $0x1F;
	p1 =	sgt.s32 s11, $0x60;
	s14 =	ssub.s32 s14, s15  }
0x32: {  	s16 =	sand.u32 s16, s11;
	s15 =	smov.u32 s11;
	s14 =	sadd.s32 $0xFFFFFF21, s14  }
0x33: {  	s27 =	sand.u32 s18, s12;
	s15 =	simm.s32 @!p1 $0x60;
	p1 =	sgt.s32 s14, $0x0  }
0x34: {  	s15 =	ssub.s32 s15, s16;
	s16 =	smov.u32 s12;
	s14 =	sshll.u32 s14, $0x7  }
0x35: {  	s17 =	sadd.s32 $0xFFFFFFA0, s15;
	s16 =	simm.s32 @!p2 $0x3;
	s15 =	ssub.s32 $0xE0, s15  }
0x36: {  	s14 =	ssub.s32 $0x80, s14;
	p2 =	sgt.s32 s17, $0x7F;
	s16 =	ssub.s32 s16, s27  }
0x37: {  	s14 =	simm.s32 @p1 $0x0;
	s15 =	simm.s32 @p2 $0x0;
	s17 =	sadd.s32 $0xFFFFFFFD, s16  }
0x38: {  	s16 =	ssub.s32 $0x4, s16;
	p1 =	sgt.s32 s17, $0x0;
	s14 =	smul.u32 s15, s14  }
0x39: {  	s16 =	simm.s32 @p1 $0x0  }
0x3a: {  	s14 =	smul.u32 s16, s14;
	_ =	sdelay $0x1  }
0x3b: {  	s15 =	simm.s32 $0x1;
	s14 =	sand.u32 $0x3FFFFF80, s14  }
0x3c: {  	s15 =	simm.s32 @!p0 $0x0;
	_ =	swait.ge [sflag:s4], s14  }
0x3d: {  	s28 =	sshll.u32 s15, $0xE;
	s14 =	ssub.s32 $0x0, s14;
	[sflag:s4] =	ssyncset.done $0x0  }
0x3e: {  	s29 =	sor.u32 $0x40, s28;
	[sflag:s4] =	ssyncadd.s32 s14  }
0x3f: {  	s30 =	smul.u32 $0x10200, s15;
	v0 =	vld [tilespmem:s29+$0x30]  }
0x40: {  	v1 =	vld [tilespmem:s29+$0xFFFFFFD0]  }
0x41: {  	s14 =	sshrl.u32 s30, $0x2;
	v5 =	vld [tilespmem:s29+$0xFFFFFFE0]  }
0x42: {  	s15 =	sor.u32 $0x8000, s14;
	v6 =	vld [tilespmem:s29+$0xFFFFFFF0]  }
0x43: {  	s31 =	sand.u32 $0x1, s7;
	v4 =	vld [tilespmem:s29+$0x0];
	s16 =	sadd.s32 $0x0, s15  }
0x44: {  	s14 =	smul.u32 $0x10200, s31;
	v3 =	vld [tilespmem:s29+$0x10];
	[tilespmem:s16+$0x3870 ss:$0x81] =	vst.msk $0xffff, v0  }
0x45: {  	v2 =	vld [tilespmem:s29+$0x20];
	[tilespmem:s16+$0x810 ss:$0x81] =	vst.msk $0xffff, v1  }
0x46: {  	s17 =	sadd.s32 $0x80, s29;
	s14 =	sshrl.u32 s14, $0x2;
	v0 =	vld [tilespmem:s29+$0xFFFFFFC0];
	[tilespmem:s16+$0x1020 ss:$0x81] =	vst.msk $0xffff, v5  }
0x47: {  	s19 =	simm.s32 $0x8;
	s18 =	simm.s32 $0x4;
	s14 =	sor.u32 $0x8000, s14;
	v1 =	vld [tilespmem:s17+$0x30];
	[tilespmem:s16+$0x1830 ss:$0x81] =	vst.msk $0xffff, v6  }
.LBB1_3:
0x48: {  	p1 =	sne.s32 s19, $0x1FC;
	v5 =	vld [tilespmem:s17+$0xFFFFFFD0];
	[tilespmem:s16+$0x2040 ss:$0x81] =	vst.msk $0xffff, v4  }
0x49: {  	v6 =	vld [tilespmem:s17+$0xFFFFFFE0];
	[tilespmem:s16+$0x2850 ss:$0x81] =	vst.msk $0xffff, v3  }
0x4a: {  	s20 =	sshra.s32 s18, $0x2;
	s18 =	smov.u32 s19;
	v7 =	vld [tilespmem:s17+$0xFFFFFFF0];
	[tilespmem:s16+$0x3060 ss:$0x81] =	vst.msk $0xffff, v2  }
.Ltmp3:
0x4b: {  	v4 =	vld [tilespmem:s17+$0x0];
	[tilespmem:s16+$0x0 ss:$0x81] =	vst.msk $0xffff, v0;
	s16 =	sadd.s32 s20, s15;
	(pc) =	sbr.rel @p1 .LBB1_3-.Ltmp3, $4  }
0x4c: {  	v3 =	vld [tilespmem:s17+$0x10];
	[tilespmem:s16+$0x3870 ss:$0x81] =	vst.msk $0xffff, v1  }
0x4d: {  	[tilespmem:s16+$0x810 ss:$0x81] =	vst.msk $0xffff, v5;
	v2 =	vld [tilespmem:s17+$0x20]  }
0x4e: {  	v0 =	vld [tilespmem:s17+$0xFFFFFFC0];
	[tilespmem:s16+$0x1020 ss:$0x81] =	vst.msk $0xffff, v6;
	s17 =	sadd.s32 $0x80, s17  }
0x4f: {  	s19 =	sadd.s32 $0x4, s19;
	v1 =	vld [tilespmem:s17+$0x30];
	[tilespmem:s16+$0x1830 ss:$0x81] =	vst.msk $0xffff, v7  }
0x50: {  	s19 =	sshll.u32 s13, $0x8;
	s20 =	sshll.u32 s11, $0x3;
	v5 =	vld [tilespmem:s17+$0xFFFFFFD0];
	[tilespmem:s16+$0x2040 ss:$0x81] =	vst.msk $0xffff, v4  }
0x51: {  	s25 =	sshll.u32 s13, $0x7;
	v58 =	vld [tilespmem:s17+$0xFFFFFFE0];
	s19 =	sand.u32 $0xFFFFF800, s19;
	s20 =	sand.u32 $0xFFFFFC00, s20;
	[tilespmem:s16+$0x2850 ss:$0x81] =	vst.msk $0xffff, v3  }
0x52: {  	s18 =	sshra.s32 s18, $0x2;
	v59 =	vld [tilespmem:s17+$0xFFFFFFF0];
	s26 =	sand.u32 $0x300, s25;
	s19 =	sadd.s32 s19, s20;
	[tilespmem:s16+$0x3060 ss:$0x81] =	vst.msk $0xffff, v2  }
0x53: {  	v60 =	vld [tilespmem:s17+$0x0];
	s15 =	sadd.s32 s18, s15;
	s19 =	sor.u32 s26, s19;
	[tilespmem:s16+$0x0 ss:$0x81] =	vst.msk $0xffff, v0  }
0x54: {  	v61 =	vld [tilespmem:s17+$0x10];
	s27 =	sshrl.u32 s19, $0x8;
	[tilespmem:s15+$0x3870 ss:$0x81] =	vst.msk $0xffff, v1  }
0x55: {  	v62 =	vld [tilespmem:s17+$0x20];
	s28 =	smulhi.u32 $0x124924A, s27;
	[tilespmem:s15+$0x810 ss:$0x81] =	vst.msk $0xffff, v5  }
0x56: {  	v63 =	vld [tilespmem:s17+$0xFFFFFFC0];
	s12 =	smul.u32 $0xE0000, s12;
	[tilespmem:s15+$0x1020 ss:$0x81] =	vst.msk $0xffff, v58  }
0x57: {  	s30 =	sand.u32 $0x78, s11;
	s13 =	sand.u32 $0x80, s25;
	[tilespmem:s15+$0x1830 ss:$0x81] =	vst.msk $0xffff, v59;
	s29 =	smul.u32 $0xE0, s28  }
.Ltmp4:
0x58: {  	s31 =	sand.u32 $0x7, s11;
	s13 =	sor.u32 s30, s13;
	[tilespmem:s15+$0x2040 ss:$0x81] =	vst.msk $0xffff, v60;
	(pc) =	sbr.rel .LBB1_5-.Ltmp4, $4  }
0x59: {  	s12 =	sadd.s32 s3, s12;
	s13 =	sshrl.u32 s13, $0x3;
	[tilespmem:s15+$0x2850 ss:$0x81] =	vst.msk $0xffff, v61;
	s16 =	ssub.s32 s27, s29  }
0x5a: {  	s11 =	sshll.u32 s31, $0x12;
	s12 =	sadd.s32 s13, s12;
	[tilespmem:s15+$0x3060 ss:$0x81] =	vst.msk $0xffff, v62;
	s16 =	sshll.u32 s16, $0x5  }
0x5b: {  	s11 =	sor.u32 $0x80, s11;
	[tilespmem:s15+$0x0 ss:$0x81] =	vst.msk $0xffff, v63;
	s12 =	sadd.s32 s16, s12  }
0x5c: {  	[hbm4b:s12+s11] =	stream.strided.scatter [tilespmem:s14], [sflag:$0x2], $0x4000, s6, s11, $0x20;
	[tilespmem:$0x10100] =	vst v63  }
.LBB1_6:
0x5d: {  	_ =	sfence.sel $0x180000  }
0x5e: {  	s2 =	simm.s32 $0x1;
	[bflag:$0x0] =	sbarrier.arrive $0xFFFF  }
0x5f: {  	s31 =	simm.s32 $0x2;
	[sflag:s2] =	ssyncpa.u1 $0x1  }
0x60: {  	[sflag:s31] =	ssyncpa.u1 $0x1  }
0x61: {  	p0 =	sne.s32 s1, $0x0;
	_ =	strace $0x9000004A  }
0x62: {  	s0 =	sadd.s32 @!p0 $0x100000, s0;
	[bflag:$0x2] =	sbarrier.arrive $0xFFFF  }
0x63: {  	[sflag:s0] =	ssyncadd.tile.s32 @!p0 $0x1;
	_ =	shalt  }
.Lfunc_end1:
_tile_overlayer_lowered:
.L_overlay_start_2:
0x64: {  	(tag) =	ssettag $0x2  }
0x65: {  	s0 =	rddreg [dreg:$0x0];
	s2 =	stileid.u32  }
0x66: {  	s1 =	rddreg [dreg:$0x1];
	p0 =	sne.s32 s2, $0x0  }
0x67: {  	s3 =	rddreg [dreg:$0x2];
	[bflag:$0x3] =	sbarrier.arrive $0xFFFF;
	s2 =	simm.s32 @!p0 $0x1C01  }
0x68: {  	[timem:s3], [sflag:s2] =	dma.local @!p0 [hbm:s0], s1  }
0x69: {  	s0 =	simm.s32 @!p0 $0x1  }
0x6a: {  	_ =	swait.ge @!p0 [sflag:s0], s1  }
0x6b: {  	s1 =	ssub.s32 @!p0 $0x0, s1;
	[sflag:s0] =	ssyncset.done @!p0 $0x0  }
0x6c: {  	[sflag:s0] =	ssyncadd.s32 @!p0 s1  }
0x6d: {  	[bflag:$0x3] =	sbarrier.arrive $0xFFFF  }
0x6e: {  	_ =	shalt  }

</sc_bundles>
